<compile_context>
chip_gen: v7x
topology: tpu7x:2x2x1
jax: 0.10.2.dev20260603
libtpu: 0.0.44.dev20260713+nightly
codegen_flags: <defaults>
</compile_context>

<pallas_src>
import functools

import jax
import jax.numpy as jnp
from jax import lax
from jax.experimental import pallas as pl
from jax.experimental.pallas import tpu as pltpu
from jax.experimental.pallas import tpu_sc as plsc

_G = 128
_NBUF = 5
_P = 3


@functools.cache
def _build_gather(N, V, D):
    info = plsc.get_sparse_core_info()
    NC, NS = info.num_cores, info.num_subcores
    NW = NC * NS
    assert N % (NW * _G) == 0
    per_w = N // NW
    steps = per_w // _G
    assert steps >= _NBUF and steps % _NBUF == 0

    mesh = plsc.VectorSubcoreMesh(core_axis_name="c", subcore_axis_name="s")

    @functools.partial(
        pl.kernel,
        out_type=jax.ShapeDtypeStruct((N, D), jnp.float32),
        mesh=mesh,
        scratch_types=(
            [pltpu.VMEM((per_w,), jnp.int32)]
            + [pltpu.VMEM((_G, D), jnp.float32) for _ in range(_NBUF)]
            + [pltpu.SemaphoreType.DMA for _ in range(2 * _NBUF)]
        ),
    )
    def gather_kernel(weight_hbm, idx_hbm, out_hbm, idx_v, *bufs_and_sems):
        rows = bufs_and_sems[:_NBUF]
        gsem = bufs_and_sems[_NBUF:2 * _NBUF]
        wsem = bufs_and_sems[2 * _NBUF:]
        wid = lax.axis_index("s") * NC + lax.axis_index("c")
        base = wid * per_w

        pltpu.sync_copy(idx_hbm.at[pl.ds(base, per_w)], idx_v)

        def gather_start(i, b):
            pltpu.async_copy(
                weight_hbm.at[idx_v.at[pl.ds(i * _G, _G)]], rows[b], gsem[b])

        def write_start(i, b):
            pltpu.make_async_copy(
                rows[b], out_hbm.at[pl.ds(base + i * _G, _G)], wsem[b]).start()

        def gather_wait(b):
            pltpu.make_async_copy(
                weight_hbm.at[idx_v.at[pl.ds(0, _G)]], rows[b], gsem[b]).wait()

        def write_wait(i, b):
            pltpu.make_async_copy(
                rows[b], out_hbm.at[pl.ds(base + i * _G, _G)], wsem[b]).wait()

        for i in range(_NBUF):
            gather_start(i, i)
            if i >= _P:
                gather_wait(i - _P)
                write_start(i - _P, i - _P)

        def group(j, carry):
            i0 = _NBUF + j * _NBUF
            for b in range(_NBUF):
                i = i0 + b
                write_wait(i - _NBUF, b)
                gather_start(i, b)
                bp = (b - _P) % _NBUF
                gather_wait(bp)
                write_start(i - _P, bp)
            return carry

        lax.fori_loop(0, (steps - _NBUF) // _NBUF, group, 0)

        for i in range(steps, steps + _P):
            b = (i - _P) % _NBUF
            gather_wait(b)
            write_start(i - _P, b)
        for b in range(_NBUF):
            write_wait(steps - _NBUF + b, b)

    return gather_kernel


def kernel(ent_id, weight):
    B, T = ent_id.shape
    V, D = weight.shape
    N = B * T
    idx_flat = ent_id.reshape(N).astype(jnp.int32)
    out = _build_gather(N, V, D)(weight, idx_flat)
    return out.reshape(B, T, D)

# --- scband reference (transcript-rebuilt; emitter-appended) ---
"""Pipeline reference for scband-emedding-layer-58729382806059 (READ-ONLY COPY).

The authoritative reference and input builder live on the scoring server;
editing this copy changes nothing except your own understanding.
"""

import jax, jax.numpy as jnp
import numpy as np

NUM_ENTITIES = 100000
H_DIM = 128

def setup_inputs(seed: int = 0) -> dict:
    key = jax.random.key(seed)
    k_idx, k_w = jax.random.split(key)
    ent_id = jax.random.randint(k_idx, (4096, 200), 0, NUM_ENTITIES, dtype=jnp.int64 if jax.config.jax_enable_x64 else jnp.int32)
    # nn.Embedding default init: N(0, 1)
    weight = jax.random.normal(k_w, (NUM_ENTITIES, H_DIM), dtype=jnp.float32)
    return {"ent_id": ent_id, "weight": weight}

def reference(ent_id, weight):
    # Faithful translation of nn.Embedding lookup: out[b, t, :] = weight[ent_id[b, t], :]
    return jnp.take(weight, ent_id, axis=0)

if __name__ == "__main__":
    import jax
    _d = setup_inputs()
    print(jax.jit(kernel)(*tuple(_d.values())))

</pallas_src>

<mosaic_0001>
#map = affine_map<(d0, d1) -> (0, 0)>
#map1 = affine_map<(d0, d1) -> (0)>
module attributes {stable_mosaic.version = 14 : i64} {
  func.func @gather_kernel(%arg0: i32, %arg1: i32, %arg2: memref<100000x128xf32, #tpu.memory_space<hbm>>, %arg3: memref<819200xi32, #tpu.memory_space<hbm>>, %arg4: memref<819200x128xf32, #tpu.memory_space<hbm>>, %arg5: memref<25600xi32, #tpu.memory_space<vmem>>, %arg6: memref<128x128xf32, #tpu.memory_space<vmem>>, %arg7: memref<128x128xf32, #tpu.memory_space<vmem>>, %arg8: memref<128x128xf32, #tpu.memory_space<vmem>>, %arg9: memref<128x128xf32, #tpu.memory_space<vmem>>, %arg10: memref<128x128xf32, #tpu.memory_space<vmem>>, %arg11: memref<!tpu.dma_semaphore, #tpu.memory_space<semaphore_mem>>, %arg12: memref<!tpu.dma_semaphore, #tpu.memory_space<semaphore_mem>>, %arg13: memref<!tpu.dma_semaphore, #tpu.memory_space<semaphore_mem>>, %arg14: memref<!tpu.dma_semaphore, #tpu.memory_space<semaphore_mem>>, %arg15: memref<!tpu.dma_semaphore, #tpu.memory_space<semaphore_mem>>, %arg16: memref<!tpu.dma_semaphore, #tpu.memory_space<semaphore_mem>>, %arg17: memref<!tpu.dma_semaphore, #tpu.memory_space<semaphore_mem>>, %arg18: memref<!tpu.dma_semaphore, #tpu.memory_space<semaphore_mem>>, %arg19: memref<!tpu.dma_semaphore, #tpu.memory_space<semaphore_mem>>, %arg20: memref<!tpu.dma_semaphore, #tpu.memory_space<semaphore_mem>>) attributes {dimension_semantics = [#tpu.dimension_semantics<core_parallel>, #tpu.dimension_semantics<subcore_parallel>], iteration_bounds = array<i64: 2, 16>, scalar_prefetch = 0 : i64, scratch_operands = 16 : i64, tpu.core_type = #tpu.core_type<sc_vector_subcore>, window_params = [{transform_indices = #map}, {transform_indices = #map1}, {transform_indices = #map}]} {
    %mul3A = arith.constant 2 : i32
    %mul3A_0 = arith.muli %arg1, %mul3A : i32
    %add3A = arith.addi %mul3A_0, %arg0 : i32
    %mul3A_1 = arith.constant 25600 : i32
    %mul3A_2 = arith.muli %add3A, %mul3A_1 : i32
    "tpu.region"() ({
      %run_scoped3A = tpu.sem_alloc : memref<!tpu.dma_semaphore, #tpu.memory_space<semaphore_mem>>
      %dma_start3A_116 = tpu.memref_slice %arg3[%mul3A_2] : memref<819200xi32, #tpu.memory_space<hbm>> -> memref<25600xi32, #tpu.memory_space<hbm>>
      %dma_start3A_117 = tpu.memref_slice %arg3[%mul3A_2] : memref<819200xi32, #tpu.memory_space<hbm>> -> memref<25600xi32, #tpu.memory_space<hbm>>
      tpu.enqueue_dma source(%dma_start3A_117 : memref<25600xi32, #tpu.memory_space<hbm>>) target(%arg5 : memref<25600xi32, #tpu.memory_space<vmem>>) target_semaphore(%run_scoped3A : memref<!tpu.dma_semaphore, #tpu.memory_space<semaphore_mem>>)
      %dma_wait3A_118 = tpu.memref_slice %arg3[%mul3A_2] : memref<819200xi32, #tpu.memory_space<hbm>> -> memref<25600xi32, #tpu.memory_space<hbm>>
      %dma_wait3A_119 = tpu.memref_slice %arg3[%mul3A_2] : memref<819200xi32, #tpu.memory_space<hbm>> -> memref<25600xi32, #tpu.memory_space<hbm>>
      tpu.wait_dma2 semaphore(%run_scoped3A : memref<!tpu.dma_semaphore, #tpu.memory_space<semaphore_mem>>) src(%dma_wait3A_119 : memref<25600xi32, #tpu.memory_space<hbm>>) dst(%arg5 : memref<25600xi32, #tpu.memory_space<vmem>>)
      tpu.yield
    }) : () -> ()
    %dma_start3A = arith.constant 0 : i32
    %dma_start3A_3 = tpu.memref_slice %arg5[%dma_start3A] : memref<25600xi32, #tpu.memory_space<vmem>> -> memref<128xi32, #tpu.memory_space<vmem>>
    %dma_start3A_4 = arith.constant 0 : i32
    %dma_start3A_5 = arith.constant 0 : i32
    %dma_start3A_6 = tpu.memref_slice %arg2[%dma_start3A_4, %dma_start3A_5] : memref<100000x128xf32, #tpu.memory_space<hbm>> -> memref<100000x128xf32, #tpu.memory_space<hbm>>
    tpu.enqueue_indirect_dma source(%dma_start3A_6 : memref<100000x128xf32, #tpu.memory_space<hbm>>) target(%arg6 : memref<128x128xf32, #tpu.memory_space<vmem>>) offsets(%dma_start3A_3 : memref<128xi32, #tpu.memory_space<vmem>>) semaphore(%arg11 : memref<!tpu.dma_semaphore, #tpu.memory_space<semaphore_mem>>)
    %dma_start3A_7 = arith.constant 128 : i32
    %dma_start3A_8 = tpu.memref_slice %arg5[%dma_start3A_7] : memref<25600xi32, #tpu.memory_space<vmem>> -> memref<128xi32, #tpu.memory_space<vmem>>
    %dma_start3A_9 = arith.constant 0 : i32
    %dma_start3A_10 = arith.constant 0 : i32
    %dma_start3A_11 = tpu.memref_slice %arg2[%dma_start3A_9, %dma_start3A_10] : memref<100000x128xf32, #tpu.memory_space<hbm>> -> memref<100000x128xf32, #tpu.memory_space<hbm>>
    tpu.enqueue_indirect_dma source(%dma_start3A_11 : memref<100000x128xf32, #tpu.memory_space<hbm>>) target(%arg7 : memref<128x128xf32, #tpu.memory_space<vmem>>) offsets(%dma_start3A_8 : memref<128xi32, #tpu.memory_space<vmem>>) semaphore(%arg12 : memref<!tpu.dma_semaphore, #tpu.memory_space<semaphore_mem>>)
    %dma_start3A_12 = arith.constant 256 : i32
    %dma_start3A_13 = tpu.memref_slice %arg5[%dma_start3A_12] : memref<25600xi32, #tpu.memory_space<vmem>> -> memref<128xi32, #tpu.memory_space<vmem>>
    %dma_start3A_14 = arith.constant 0 : i32
    %dma_start3A_15 = arith.constant 0 : i32
    %dma_start3A_16 = tpu.memref_slice %arg2[%dma_start3A_14, %dma_start3A_15] : memref<100000x128xf32, #tpu.memory_space<hbm>> -> memref<100000x128xf32, #tpu.memory_space<hbm>>
    tpu.enqueue_indirect_dma source(%dma_start3A_16 : memref<100000x128xf32, #tpu.memory_space<hbm>>) target(%arg8 : memref<128x128xf32, #tpu.memory_space<vmem>>) offsets(%dma_start3A_13 : memref<128xi32, #tpu.memory_space<vmem>>) semaphore(%arg13 : memref<!tpu.dma_semaphore, #tpu.memory_space<semaphore_mem>>)
    %dma_start3A_17 = arith.constant 384 : i32
    %dma_start3A_18 = tpu.memref_slice %arg5[%dma_start3A_17] : memref<25600xi32, #tpu.memory_space<vmem>> -> memref<128xi32, #tpu.memory_space<vmem>>
    %dma_start3A_19 = arith.constant 0 : i32
    %dma_start3A_20 = arith.constant 0 : i32
    %dma_start3A_21 = tpu.memref_slice %arg2[%dma_start3A_19, %dma_start3A_20] : memref<100000x128xf32, #tpu.memory_space<hbm>> -> memref<100000x128xf32, #tpu.memory_space<hbm>>
    tpu.enqueue_indirect_dma source(%dma_start3A_21 : memref<100000x128xf32, #tpu.memory_space<hbm>>) target(%arg9 : memref<128x128xf32, #tpu.memory_space<vmem>>) offsets(%dma_start3A_18 : memref<128xi32, #tpu.memory_space<vmem>>) semaphore(%arg14 : memref<!tpu.dma_semaphore, #tpu.memory_space<semaphore_mem>>)
    %dma_wait3A = arith.constant 0 : i32
    %dma_wait3A_22 = tpu.memref_slice %arg5[%dma_wait3A] : memref<25600xi32, #tpu.memory_space<vmem>> -> memref<128xi32, #tpu.memory_space<vmem>>
    %dma_wait3A_23 = arith.constant 0 : i32
    %dma_wait3A_24 = arith.constant 0 : i32
    %dma_wait3A_25 = tpu.memref_slice %arg2[%dma_wait3A_23, %dma_wait3A_24] : memref<100000x128xf32, #tpu.memory_space<hbm>> -> memref<100000x128xf32, #tpu.memory_space<hbm>>
    tpu.wait_indirect_dma semaphore(%arg11 : memref<!tpu.dma_semaphore, #tpu.memory_space<semaphore_mem>>) src(%dma_wait3A_25 : memref<100000x128xf32, #tpu.memory_space<hbm>>) dst(%arg6 : memref<128x128xf32, #tpu.memory_space<vmem>>)
    %add3A_26 = arith.constant 0 : i32
    %add3A_27 = arith.addi %mul3A_2, %add3A_26 : i32
    %dma_start3A_28 = arith.constant 0 : i32
    %dma_start3A_29 = tpu.memref_slice %arg4[%add3A_27, %dma_start3A_28] : memref<819200x128xf32, #tpu.memory_space<hbm>> -> memref<128x128xf32, #tpu.memory_space<hbm>>
    %dma_start3A_30 = arith.constant 0 : i32
    %dma_start3A_31 = tpu.memref_slice %arg4[%add3A_27, %dma_start3A_30] : memref<819200x128xf32, #tpu.memory_space<hbm>> -> memref<128x128xf32, #tpu.memory_space<hbm>>
    tpu.enqueue_dma source(%arg6 : memref<128x128xf32, #tpu.memory_space<vmem>>) target(%dma_start3A_31 : memref<128x128xf32, #tpu.memory_space<hbm>>) target_semaphore(%arg16 : memref<!tpu.dma_semaphore, #tpu.memory_space<semaphore_mem>>)
    %dma_start3A_32 = arith.constant 512 : i32
    %dma_start3A_33 = tpu.memref_slice %arg5[%dma_start3A_32] : memref<25600xi32, #tpu.memory_space<vmem>> -> memref<128xi32, #tpu.memory_space<vmem>>
    %dma_start3A_34 = arith.constant 0 : i32
    %dma_start3A_35 = arith.constant 0 : i32
    %dma_start3A_36 = tpu.memref_slice %arg2[%dma_start3A_34, %dma_start3A_35] : memref<100000x128xf32, #tpu.memory_space<hbm>> -> memref<100000x128xf32, #tpu.memory_space<hbm>>
    tpu.enqueue_indirect_dma source(%dma_start3A_36 : memref<100000x128xf32, #tpu.memory_space<hbm>>) target(%arg10 : memref<128x128xf32, #tpu.memory_space<vmem>>) offsets(%dma_start3A_33 : memref<128xi32, #tpu.memory_space<vmem>>) semaphore(%arg15 : memref<!tpu.dma_semaphore, #tpu.memory_space<semaphore_mem>>)
    %dma_wait3A_37 = arith.constant 0 : i32
    %dma_wait3A_38 = tpu.memref_slice %arg5[%dma_wait3A_37] : memref<25600xi32, #tpu.memory_space<vmem>> -> memref<128xi32, #tpu.memory_space<vmem>>
    %dma_wait3A_39 = arith.constant 0 : i32
    %dma_wait3A_40 = arith.constant 0 : i32
    %dma_wait3A_41 = tpu.memref_slice %arg2[%dma_wait3A_39, %dma_wait3A_40] : memref<100000x128xf32, #tpu.memory_space<hbm>> -> memref<100000x128xf32, #tpu.memory_space<hbm>>
    tpu.wait_indirect_dma semaphore(%arg12 : memref<!tpu.dma_semaphore, #tpu.memory_space<semaphore_mem>>) src(%dma_wait3A_41 : memref<100000x128xf32, #tpu.memory_space<hbm>>) dst(%arg7 : memref<128x128xf32, #tpu.memory_space<vmem>>)
    %add3A_42 = arith.constant 128 : i32
    %add3A_43 = arith.addi %mul3A_2, %add3A_42 : i32
    %dma_start3A_44 = arith.constant 0 : i32
    %dma_start3A_45 = tpu.memref_slice %arg4[%add3A_43, %dma_start3A_44] : memref<819200x128xf32, #tpu.memory_space<hbm>> -> memref<128x128xf32, #tpu.memory_space<hbm>>
    %dma_start3A_46 = arith.constant 0 : i32
    %dma_start3A_47 = tpu.memref_slice %arg4[%add3A_43, %dma_start3A_46] : memref<819200x128xf32, #tpu.memory_space<hbm>> -> memref<128x128xf32, #tpu.memory_space<hbm>>
    tpu.enqueue_dma source(%arg7 : memref<128x128xf32, #tpu.memory_space<vmem>>) target(%dma_start3A_47 : memref<128x128xf32, #tpu.memory_space<hbm>>) target_semaphore(%arg17 : memref<!tpu.dma_semaphore, #tpu.memory_space<semaphore_mem>>)
    %scan3A = arith.constant 0 : i32
    %scan3A_48 = arith.constant 0 : i32
    %scan3A_49 = arith.constant 39 : i32
    %scan3A_50 = arith.addi %scan3A_48, %scan3A_49 : i32
    %scan3A_51 = arith.constant 1 : i32
    scf.for %scan3A_116 = %scan3A_48 to %scan3A_50 step %scan3A_51  : i32 {
      %mul3A_117 = arith.constant 5 : i32
      %mul3A_118 = arith.muli %scan3A_116, %mul3A_117 : i32
      %add3A_119 = arith.constant 5 : i32
      %add3A_120 = arith.addi %add3A_119, %mul3A_118 : i32
      %add3A_121 = arith.constant 0 : i32
      %add3A_122 = arith.addi %add3A_120, %add3A_121 : i32
      %sub3A = arith.constant 5 : i32
      %sub3A_123 = arith.subi %add3A_122, %sub3A : i32
      %mul3A_124 = arith.constant 128 : i32
      %mul3A_125 = arith.muli %sub3A_123, %mul3A_124 : i32
      %add3A_126 = arith.addi %mul3A_2, %mul3A_125 : i32
      %dma_wait3A_127 = arith.constant 0 : i32
      %dma_wait3A_128 = tpu.memref_slice %arg4[%add3A_126, %dma_wait3A_127] : memref<819200x128xf32, #tpu.memory_space<hbm>> -> memref<128x128xf32, #tpu.memory_space<hbm>>
      %dma_wait3A_129 = arith.constant 0 : i32
      %dma_wait3A_130 = tpu.memref_slice %arg4[%add3A_126, %dma_wait3A_129] : memref<819200x128xf32, #tpu.memory_space<hbm>> -> memref<128x128xf32, #tpu.memory_space<hbm>>
      tpu.wait_dma2 semaphore(%arg16 : memref<!tpu.dma_semaphore, #tpu.memory_space<semaphore_mem>>) src(%arg6 : memref<128x128xf32, #tpu.memory_space<vmem>>) dst(%dma_wait3A_130 : memref<128x128xf32, #tpu.memory_space<hbm>>)
      %mul3A_131 = arith.constant 128 : i32
      %mul3A_132 = arith.muli %add3A_122, %mul3A_131 : i32
      %dma_start3A_133 = tpu.memref_slice %arg5[%mul3A_132] : memref<25600xi32, #tpu.memory_space<vmem>> -> memref<128xi32, #tpu.memory_space<vmem>>
      %dma_start3A_134 = arith.constant 0 : i32
      %dma_start3A_135 = arith.constant 0 : i32
      %dma_start3A_136 = tpu.memref_slice %arg2[%dma_start3A_134, %dma_start3A_135] : memref<100000x128xf32, #tpu.memory_space<hbm>> -> memref<100000x128xf32, #tpu.memory_space<hbm>>
      tpu.enqueue_indirect_dma source(%dma_start3A_136 : memref<100000x128xf32, #tpu.memory_space<hbm>>) target(%arg6 : memref<128x128xf32, #tpu.memory_space<vmem>>) offsets(%dma_start3A_133 : memref<128xi32, #tpu.memory_space<vmem>>) semaphore(%arg11 : memref<!tpu.dma_semaphore, #tpu.memory_space<semaphore_mem>>)
      %dma_wait3A_137 = arith.constant 0 : i32
      %dma_wait3A_138 = tpu.memref_slice %arg5[%dma_wait3A_137] : memref<25600xi32, #tpu.memory_space<vmem>> -> memref<128xi32, #tpu.memory_space<vmem>>
      %dma_wait3A_139 = arith.constant 0 : i32
      %dma_wait3A_140 = arith.constant 0 : i32
      %dma_wait3A_141 = tpu.memref_slice %arg2[%dma_wait3A_139, %dma_wait3A_140] : memref<100000x128xf32, #tpu.memory_space<hbm>> -> memref<100000x128xf32, #tpu.memory_space<hbm>>
      tpu.wait_indirect_dma semaphore(%arg13 : memref<!tpu.dma_semaphore, #tpu.memory_space<semaphore_mem>>) src(%dma_wait3A_141 : memref<100000x128xf32, #tpu.memory_space<hbm>>) dst(%arg8 : memref<128x128xf32, #tpu.memory_space<vmem>>)
      %sub3A_142 = arith.constant 3 : i32
      %sub3A_143 = arith.subi %add3A_122, %sub3A_142 : i32
      %mul3A_144 = arith.constant 128 : i32
      %mul3A_145 = arith.muli %sub3A_143, %mul3A_144 : i32
      %add3A_146 = arith.addi %mul3A_2, %mul3A_145 : i32
      %dma_start3A_147 = arith.constant 0 : i32
      %dma_start3A_148 = tpu.memref_slice %arg4[%add3A_146, %dma_start3A_147] : memref<819200x128xf32, #tpu.memory_space<hbm>> -> memref<128x128xf32, #tpu.memory_space<hbm>>
      %dma_start3A_149 = arith.constant 0 : i32
      %dma_start3A_150 = tpu.memref_slice %arg4[%add3A_146, %dma_start3A_149] : memref<819200x128xf32, #tpu.memory_space<hbm>> -> memref<128x128xf32, #tpu.memory_space<hbm>>
      tpu.enqueue_dma source(%arg8 : memref<128x128xf32, #tpu.memory_space<vmem>>) target(%dma_start3A_150 : memref<128x128xf32, #tpu.memory_space<hbm>>) target_semaphore(%arg18 : memref<!tpu.dma_semaphore, #tpu.memory_space<semaphore_mem>>)
      %add3A_151 = arith.constant 1 : i32
      %add3A_152 = arith.addi %add3A_120, %add3A_151 : i32
      %sub3A_153 = arith.constant 5 : i32
      %sub3A_154 = arith.subi %add3A_152, %sub3A_153 : i32
      %mul3A_155 = arith.constant 128 : i32
      %mul3A_156 = arith.muli %sub3A_154, %mul3A_155 : i32
      %add3A_157 = arith.addi %mul3A_2, %mul3A_156 : i32
      %dma_wait3A_158 = arith.constant 0 : i32
      %dma_wait3A_159 = tpu.memref_slice %arg4[%add3A_157, %dma_wait3A_158] : memref<819200x128xf32, #tpu.memory_space<hbm>> -> memref<128x128xf32, #tpu.memory_space<hbm>>
      %dma_wait3A_160 = arith.constant 0 : i32
      %dma_wait3A_161 = tpu.memref_slice %arg4[%add3A_157, %dma_wait3A_160] : memref<819200x128xf32, #tpu.memory_space<hbm>> -> memref<128x128xf32, #tpu.memory_space<hbm>>
      tpu.wait_dma2 semaphore(%arg17 : memref<!tpu.dma_semaphore, #tpu.memory_space<semaphore_mem>>) src(%arg7 : memref<128x128xf32, #tpu.memory_space<vmem>>) dst(%dma_wait3A_161 : memref<128x128xf32, #tpu.memory_space<hbm>>)
      %mul3A_162 = arith.constant 128 : i32
      %mul3A_163 = arith.muli %add3A_152, %mul3A_162 : i32
      %dma_start3A_164 = tpu.memref_slice %arg5[%mul3A_163] : memref<25600xi32, #tpu.memory_space<vmem>> -> memref<128xi32, #tpu.memory_space<vmem>>
      %dma_start3A_165 = arith.constant 0 : i32
      %dma_start3A_166 = arith.constant 0 : i32
      %dma_start3A_167 = tpu.memref_slice %arg2[%dma_start3A_165, %dma_start3A_166] : memref<100000x128xf32, #tpu.memory_space<hbm>> -> memref<100000x128xf32, #tpu.memory_space<hbm>>
      tpu.enqueue_indirect_dma source(%dma_start3A_167 : memref<100000x128xf32, #tpu.memory_space<hbm>>) target(%arg7 : memref<128x128xf32, #tpu.memory_space<vmem>>) offsets(%dma_start3A_164 : memref<128xi32, #tpu.memory_space<vmem>>) semaphore(%arg12 : memref<!tpu.dma_semaphore, #tpu.memory_space<semaphore_mem>>)
      %dma_wait3A_168 = arith.constant 0 : i32
      %dma_wait3A_169 = tpu.memref_slice %arg5[%dma_wait3A_168] : memref<25600xi32, #tpu.memory_space<vmem>> -> memref<128xi32, #tpu.memory_space<vmem>>
      %dma_wait3A_170 = arith.constant 0 : i32
      %dma_wait3A_171 = arith.constant 0 : i32
      %dma_wait3A_172 = tpu.memref_slice %arg2[%dma_wait3A_170, %dma_wait3A_171] : memref<100000x128xf32, #tpu.memory_space<hbm>> -> memref<100000x128xf32, #tpu.memory_space<hbm>>
      tpu.wait_indirect_dma semaphore(%arg14 : memref<!tpu.dma_semaphore, #tpu.memory_space<semaphore_mem>>) src(%dma_wait3A_172 : memref<100000x128xf32, #tpu.memory_space<hbm>>) dst(%arg9 : memref<128x128xf32, #tpu.memory_space<vmem>>)
      %sub3A_173 = arith.constant 3 : i32
      %sub3A_174 = arith.subi %add3A_152, %sub3A_173 : i32
      %mul3A_175 = arith.constant 128 : i32
      %mul3A_176 = arith.muli %sub3A_174, %mul3A_175 : i32
      %add3A_177 = arith.addi %mul3A_2, %mul3A_176 : i32
      %dma_start3A_178 = arith.constant 0 : i32
      %dma_start3A_179 = tpu.memref_slice %arg4[%add3A_177, %dma_start3A_178] : memref<819200x128xf32, #tpu.memory_space<hbm>> -> memref<128x128xf32, #tpu.memory_space<hbm>>
      %dma_start3A_180 = arith.constant 0 : i32
      %dma_start3A_181 = tpu.memref_slice %arg4[%add3A_177, %dma_start3A_180] : memref<819200x128xf32, #tpu.memory_space<hbm>> -> memref<128x128xf32, #tpu.memory_space<hbm>>
      tpu.enqueue_dma source(%arg9 : memref<128x128xf32, #tpu.memory_space<vmem>>) target(%dma_start3A_181 : memref<128x128xf32, #tpu.memory_space<hbm>>) target_semaphore(%arg19 : memref<!tpu.dma_semaphore, #tpu.memory_space<semaphore_mem>>)
      %add3A_182 = arith.constant 2 : i32
      %add3A_183 = arith.addi %add3A_120, %add3A_182 : i32
      %sub3A_184 = arith.constant 5 : i32
      %sub3A_185 = arith.subi %add3A_183, %sub3A_184 : i32
      %mul3A_186 = arith.constant 128 : i32
      %mul3A_187 = arith.muli %sub3A_185, %mul3A_186 : i32
      %add3A_188 = arith.addi %mul3A_2, %mul3A_187 : i32
      %dma_wait3A_189 = arith.constant 0 : i32
      %dma_wait3A_190 = tpu.memref_slice %arg4[%add3A_188, %dma_wait3A_189] : memref<819200x128xf32, #tpu.memory_space<hbm>> -> memref<128x128xf32, #tpu.memory_space<hbm>>
      %dma_wait3A_191 = arith.constant 0 : i32
      %dma_wait3A_192 = tpu.memref_slice %arg4[%add3A_188, %dma_wait3A_191] : memref<819200x128xf32, #tpu.memory_space<hbm>> -> memref<128x128xf32, #tpu.memory_space<hbm>>
      tpu.wait_dma2 semaphore(%arg18 : memref<!tpu.dma_semaphore, #tpu.memory_space<semaphore_mem>>) src(%arg8 : memref<128x128xf32, #tpu.memory_space<vmem>>) dst(%dma_wait3A_192 : memref<128x128xf32, #tpu.memory_space<hbm>>)
      %mul3A_193 = arith.constant 128 : i32
      %mul3A_194 = arith.muli %add3A_183, %mul3A_193 : i32
      %dma_start3A_195 = tpu.memref_slice %arg5[%mul3A_194] : memref<25600xi32, #tpu.memory_space<vmem>> -> memref<128xi32, #tpu.memory_space<vmem>>
      %dma_start3A_196 = arith.constant 0 : i32
      %dma_start3A_197 = arith.constant 0 : i32
      %dma_start3A_198 = tpu.memref_slice %arg2[%dma_start3A_196, %dma_start3A_197] : memref<100000x128xf32, #tpu.memory_space<hbm>> -> memref<100000x128xf32, #tpu.memory_space<hbm>>
      tpu.enqueue_indirect_dma source(%dma_start3A_198 : memref<100000x128xf32, #tpu.memory_space<hbm>>) target(%arg8 : memref<128x128xf32, #tpu.memory_space<vmem>>) offsets(%dma_start3A_195 : memref<128xi32, #tpu.memory_space<vmem>>) semaphore(%arg13 : memref<!tpu.dma_semaphore, #tpu.memory_space<semaphore_mem>>)
      %dma_wait3A_199 = arith.constant 0 : i32
      %dma_wait3A_200 = tpu.memref_slice %arg5[%dma_wait3A_199] : memref<25600xi32, #tpu.memory_space<vmem>> -> memref<128xi32, #tpu.memory_space<vmem>>
      %dma_wait3A_201 = arith.constant 0 : i32
      %dma_wait3A_202 = arith.constant 0 : i32
      %dma_wait3A_203 = tpu.memref_slice %arg2[%dma_wait3A_201, %dma_wait3A_202] : memref<100000x128xf32, #tpu.memory_space<hbm>> -> memref<100000x128xf32, #tpu.memory_space<hbm>>
      tpu.wait_indirect_dma semaphore(%arg15 : memref<!tpu.dma_semaphore, #tpu.memory_space<semaphore_mem>>) src(%dma_wait3A_203 : memref<100000x128xf32, #tpu.memory_space<hbm>>) dst(%arg10 : memref<128x128xf32, #tpu.memory_space<vmem>>)
      %sub3A_204 = arith.constant 3 : i32
      %sub3A_205 = arith.subi %add3A_183, %sub3A_204 : i32
      %mul3A_206 = arith.constant 128 : i32
      %mul3A_207 = arith.muli %sub3A_205, %mul3A_206 : i32
      %add3A_208 = arith.addi %mul3A_2, %mul3A_207 : i32
      %dma_start3A_209 = arith.constant 0 : i32
      %dma_start3A_210 = tpu.memref_slice %arg4[%add3A_208, %dma_start3A_209] : memref<819200x128xf32, #tpu.memory_space<hbm>> -> memref<128x128xf32, #tpu.memory_space<hbm>>
      %dma_start3A_211 = arith.constant 0 : i32
      %dma_start3A_212 = tpu.memref_slice %arg4[%add3A_208, %dma_start3A_211] : memref<819200x128xf32, #tpu.memory_space<hbm>> -> memref<128x128xf32, #tpu.memory_space<hbm>>
      tpu.enqueue_dma source(%arg10 : memref<128x128xf32, #tpu.memory_space<vmem>>) target(%dma_start3A_212 : memref<128x128xf32, #tpu.memory_space<hbm>>) target_semaphore(%arg20 : memref<!tpu.dma_semaphore, #tpu.memory_space<semaphore_mem>>)
      %add3A_213 = arith.constant 3 : i32
      %add3A_214 = arith.addi %add3A_120, %add3A_213 : i32
      %sub3A_215 = arith.constant 5 : i32
      %sub3A_216 = arith.subi %add3A_214, %sub3A_215 : i32
      %mul3A_217 = arith.constant 128 : i32
      %mul3A_218 = arith.muli %sub3A_216, %mul3A_217 : i32
      %add3A_219 = arith.addi %mul3A_2, %mul3A_218 : i32
      %dma_wait3A_220 = arith.constant 0 : i32
      %dma_wait3A_221 = tpu.memref_slice %arg4[%add3A_219, %dma_wait3A_220] : memref<819200x128xf32, #tpu.memory_space<hbm>> -> memref<128x128xf32, #tpu.memory_space<hbm>>
      %dma_wait3A_222 = arith.constant 0 : i32
      %dma_wait3A_223 = tpu.memref_slice %arg4[%add3A_219, %dma_wait3A_222] : memref<819200x128xf32, #tpu.memory_space<hbm>> -> memref<128x128xf32, #tpu.memory_space<hbm>>
      tpu.wait_dma2 semaphore(%arg19 : memref<!tpu.dma_semaphore, #tpu.memory_space<semaphore_mem>>) src(%arg9 : memref<128x128xf32, #tpu.memory_space<vmem>>) dst(%dma_wait3A_223 : memref<128x128xf32, #tpu.memory_space<hbm>>)
      %mul3A_224 = arith.constant 128 : i32
      %mul3A_225 = arith.muli %add3A_214, %mul3A_224 : i32
      %dma_start3A_226 = tpu.memref_slice %arg5[%mul3A_225] : memref<25600xi32, #tpu.memory_space<vmem>> -> memref<128xi32, #tpu.memory_space<vmem>>
      %dma_start3A_227 = arith.constant 0 : i32
      %dma_start3A_228 = arith.constant 0 : i32
      %dma_start3A_229 = tpu.memref_slice %arg2[%dma_start3A_227, %dma_start3A_228] : memref<100000x128xf32, #tpu.memory_space<hbm>> -> memref<100000x128xf32, #tpu.memory_space<hbm>>
      tpu.enqueue_indirect_dma source(%dma_start3A_229 : memref<100000x128xf32, #tpu.memory_space<hbm>>) target(%arg9 : memref<128x128xf32, #tpu.memory_space<vmem>>) offsets(%dma_start3A_226 : memref<128xi32, #tpu.memory_space<vmem>>) semaphore(%arg14 : memref<!tpu.dma_semaphore, #tpu.memory_space<semaphore_mem>>)
      %dma_wait3A_230 = arith.constant 0 : i32
      %dma_wait3A_231 = tpu.memref_slice %arg5[%dma_wait3A_230] : memref<25600xi32, #tpu.memory_space<vmem>> -> memref<128xi32, #tpu.memory_space<vmem>>
      %dma_wait3A_232 = arith.constant 0 : i32
      %dma_wait3A_233 = arith.constant 0 : i32
      %dma_wait3A_234 = tpu.memref_slice %arg2[%dma_wait3A_232, %dma_wait3A_233] : memref<100000x128xf32, #tpu.memory_space<hbm>> -> memref<100000x128xf32, #tpu.memory_space<hbm>>
      tpu.wait_indirect_dma semaphore(%arg11 : memref<!tpu.dma_semaphore, #tpu.memory_space<semaphore_mem>>) src(%dma_wait3A_234 : memref<100000x128xf32, #tpu.memory_space<hbm>>) dst(%arg6 : memref<128x128xf32, #tpu.memory_space<vmem>>)
      %sub3A_235 = arith.constant 3 : i32
      %sub3A_236 = arith.subi %add3A_214, %sub3A_235 : i32
      %mul3A_237 = arith.constant 128 : i32
      %mul3A_238 = arith.muli %sub3A_236, %mul3A_237 : i32
      %add3A_239 = arith.addi %mul3A_2, %mul3A_238 : i32
      %dma_start3A_240 = arith.constant 0 : i32
      %dma_start3A_241 = tpu.memref_slice %arg4[%add3A_239, %dma_start3A_240] : memref<819200x128xf32, #tpu.memory_space<hbm>> -> memref<128x128xf32, #tpu.memory_space<hbm>>
      %dma_start3A_242 = arith.constant 0 : i32
      %dma_start3A_243 = tpu.memref_slice %arg4[%add3A_239, %dma_start3A_242] : memref<819200x128xf32, #tpu.memory_space<hbm>> -> memref<128x128xf32, #tpu.memory_space<hbm>>
      tpu.enqueue_dma source(%arg6 : memref<128x128xf32, #tpu.memory_space<vmem>>) target(%dma_start3A_243 : memref<128x128xf32, #tpu.memory_space<hbm>>) target_semaphore(%arg16 : memref<!tpu.dma_semaphore, #tpu.memory_space<semaphore_mem>>)
      %add3A_244 = arith.constant 4 : i32
      %add3A_245 = arith.addi %add3A_120, %add3A_244 : i32
      %sub3A_246 = arith.constant 5 : i32
      %sub3A_247 = arith.subi %add3A_245, %sub3A_246 : i32
      %mul3A_248 = arith.constant 128 : i32
      %mul3A_249 = arith.muli %sub3A_247, %mul3A_248 : i32
      %add3A_250 = arith.addi %mul3A_2, %mul3A_249 : i32
      %dma_wait3A_251 = arith.constant 0 : i32
      %dma_wait3A_252 = tpu.memref_slice %arg4[%add3A_250, %dma_wait3A_251] : memref<819200x128xf32, #tpu.memory_space<hbm>> -> memref<128x128xf32, #tpu.memory_space<hbm>>
      %dma_wait3A_253 = arith.constant 0 : i32
      %dma_wait3A_254 = tpu.memref_slice %arg4[%add3A_250, %dma_wait3A_253] : memref<819200x128xf32, #tpu.memory_space<hbm>> -> memref<128x128xf32, #tpu.memory_space<hbm>>
      tpu.wait_dma2 semaphore(%arg20 : memref<!tpu.dma_semaphore, #tpu.memory_space<semaphore_mem>>) src(%arg10 : memref<128x128xf32, #tpu.memory_space<vmem>>) dst(%dma_wait3A_254 : memref<128x128xf32, #tpu.memory_space<hbm>>)
      %mul3A_255 = arith.constant 128 : i32
      %mul3A_256 = arith.muli %add3A_245, %mul3A_255 : i32
      %dma_start3A_257 = tpu.memref_slice %arg5[%mul3A_256] : memref<25600xi32, #tpu.memory_space<vmem>> -> memref<128xi32, #tpu.memory_space<vmem>>
      %dma_start3A_258 = arith.constant 0 : i32
      %dma_start3A_259 = arith.constant 0 : i32
      %dma_start3A_260 = tpu.memref_slice %arg2[%dma_start3A_258, %dma_start3A_259] : memref<100000x128xf32, #tpu.memory_space<hbm>> -> memref<100000x128xf32, #tpu.memory_space<hbm>>
      tpu.enqueue_indirect_dma source(%dma_start3A_260 : memref<100000x128xf32, #tpu.memory_space<hbm>>) target(%arg10 : memref<128x128xf32, #tpu.memory_space<vmem>>) offsets(%dma_start3A_257 : memref<128xi32, #tpu.memory_space<vmem>>) semaphore(%arg15 : memref<!tpu.dma_semaphore, #tpu.memory_space<semaphore_mem>>)
      %dma_wait3A_261 = arith.constant 0 : i32
      %dma_wait3A_262 = tpu.memref_slice %arg5[%dma_wait3A_261] : memref<25600xi32, #tpu.memory_space<vmem>> -> memref<128xi32, #tpu.memory_space<vmem>>
      %dma_wait3A_263 = arith.constant 0 : i32
      %dma_wait3A_264 = arith.constant 0 : i32
      %dma_wait3A_265 = tpu.memref_slice %arg2[%dma_wait3A_263, %dma_wait3A_264] : memref<100000x128xf32, #tpu.memory_space<hbm>> -> memref<100000x128xf32, #tpu.memory_space<hbm>>
      tpu.wait_indirect_dma semaphore(%arg12 : memref<!tpu.dma_semaphore, #tpu.memory_space<semaphore_mem>>) src(%dma_wait3A_265 : memref<100000x128xf32, #tpu.memory_space<hbm>>) dst(%arg7 : memref<128x128xf32, #tpu.memory_space<vmem>>)
      %sub3A_266 = arith.constant 3 : i32
      %sub3A_267 = arith.subi %add3A_245, %sub3A_266 : i32
      %mul3A_268 = arith.constant 128 : i32
      %mul3A_269 = arith.muli %sub3A_267, %mul3A_268 : i32
      %add3A_270 = arith.addi %mul3A_2, %mul3A_269 : i32
      %dma_start3A_271 = arith.constant 0 : i32
      %dma_start3A_272 = tpu.memref_slice %arg4[%add3A_270, %dma_start3A_271] : memref<819200x128xf32, #tpu.memory_space<hbm>> -> memref<128x128xf32, #tpu.memory_space<hbm>>
      %dma_start3A_273 = arith.constant 0 : i32
      %dma_start3A_274 = tpu.memref_slice %arg4[%add3A_270, %dma_start3A_273] : memref<819200x128xf32, #tpu.memory_space<hbm>> -> memref<128x128xf32, #tpu.memory_space<hbm>>
      tpu.enqueue_dma source(%arg7 : memref<128x128xf32, #tpu.memory_space<vmem>>) target(%dma_start3A_274 : memref<128x128xf32, #tpu.memory_space<hbm>>) target_semaphore(%arg17 : memref<!tpu.dma_semaphore, #tpu.memory_space<semaphore_mem>>)
    }
    %scan3A_52 = arith.constant 39 : i32
    %dma_wait3A_53 = arith.constant 0 : i32
    %dma_wait3A_54 = tpu.memref_slice %arg5[%dma_wait3A_53] : memref<25600xi32, #tpu.memory_space<vmem>> -> memref<128xi32, #tpu.memory_space<vmem>>
    %dma_wait3A_55 = arith.constant 0 : i32
    %dma_wait3A_56 = arith.constant 0 : i32
    %dma_wait3A_57 = tpu.memref_slice %arg2[%dma_wait3A_55, %dma_wait3A_56] : memref<100000x128xf32, #tpu.memory_space<hbm>> -> memref<100000x128xf32, #tpu.memory_space<hbm>>
    tpu.wait_indirect_dma semaphore(%arg13 : memref<!tpu.dma_semaphore, #tpu.memory_space<semaphore_mem>>) src(%dma_wait3A_57 : memref<100000x128xf32, #tpu.memory_space<hbm>>) dst(%arg8 : memref<128x128xf32, #tpu.memory_space<vmem>>)
    %add3A_58 = arith.constant 25216 : i32
    %add3A_59 = arith.addi %mul3A_2, %add3A_58 : i32
    %dma_start3A_60 = arith.constant 0 : i32
    %dma_start3A_61 = tpu.memref_slice %arg4[%add3A_59, %dma_start3A_60] : memref<819200x128xf32, #tpu.memory_space<hbm>> -> memref<128x128xf32, #tpu.memory_space<hbm>>
    %dma_start3A_62 = arith.constant 0 : i32
    %dma_start3A_63 = tpu.memref_slice %arg4[%add3A_59, %dma_start3A_62] : memref<819200x128xf32, #tpu.memory_space<hbm>> -> memref<128x128xf32, #tpu.memory_space<hbm>>
    tpu.enqueue_dma source(%arg8 : memref<128x128xf32, #tpu.memory_space<vmem>>) target(%dma_start3A_63 : memref<128x128xf32, #tpu.memory_space<hbm>>) target_semaphore(%arg18 : memref<!tpu.dma_semaphore, #tpu.memory_space<semaphore_mem>>)
    %dma_wait3A_64 = arith.constant 0 : i32
    %dma_wait3A_65 = tpu.memref_slice %arg5[%dma_wait3A_64] : memref<25600xi32, #tpu.memory_space<vmem>> -> memref<128xi32, #tpu.memory_space<vmem>>
    %dma_wait3A_66 = arith.constant 0 : i32
    %dma_wait3A_67 = arith.constant 0 : i32
    %dma_wait3A_68 = tpu.memref_slice %arg2[%dma_wait3A_66, %dma_wait3A_67] : memref<100000x128xf32, #tpu.memory_space<hbm>> -> memref<100000x128xf32, #tpu.memory_space<hbm>>
    tpu.wait_indirect_dma semaphore(%arg14 : memref<!tpu.dma_semaphore, #tpu.memory_space<semaphore_mem>>) src(%dma_wait3A_68 : memref<100000x128xf32, #tpu.memory_space<hbm>>) dst(%arg9 : memref<128x128xf32, #tpu.memory_space<vmem>>)
    %add3A_69 = arith.constant 25344 : i32
    %add3A_70 = arith.addi %mul3A_2, %add3A_69 : i32
    %dma_start3A_71 = arith.constant 0 : i32
    %dma_start3A_72 = tpu.memref_slice %arg4[%add3A_70, %dma_start3A_71] : memref<819200x128xf32, #tpu.memory_space<hbm>> -> memref<128x128xf32, #tpu.memory_space<hbm>>
    %dma_start3A_73 = arith.constant 0 : i32
    %dma_start3A_74 = tpu.memref_slice %arg4[%add3A_70, %dma_start3A_73] : memref<819200x128xf32, #tpu.memory_space<hbm>> -> memref<128x128xf32, #tpu.memory_space<hbm>>
    tpu.enqueue_dma source(%arg9 : memref<128x128xf32, #tpu.memory_space<vmem>>) target(%dma_start3A_74 : memref<128x128xf32, #tpu.memory_space<hbm>>) target_semaphore(%arg19 : memref<!tpu.dma_semaphore, #tpu.memory_space<semaphore_mem>>)
    %dma_wait3A_75 = arith.constant 0 : i32
    %dma_wait3A_76 = tpu.memref_slice %arg5[%dma_wait3A_75] : memref<25600xi32, #tpu.memory_space<vmem>> -> memref<128xi32, #tpu.memory_space<vmem>>
    %dma_wait3A_77 = arith.constant 0 : i32
    %dma_wait3A_78 = arith.constant 0 : i32
    %dma_wait3A_79 = tpu.memref_slice %arg2[%dma_wait3A_77, %dma_wait3A_78] : memref<100000x128xf32, #tpu.memory_space<hbm>> -> memref<100000x128xf32, #tpu.memory_space<hbm>>
    tpu.wait_indirect_dma semaphore(%arg15 : memref<!tpu.dma_semaphore, #tpu.memory_space<semaphore_mem>>) src(%dma_wait3A_79 : memref<100000x128xf32, #tpu.memory_space<hbm>>) dst(%arg10 : memref<128x128xf32, #tpu.memory_space<vmem>>)
    %add3A_80 = arith.constant 25472 : i32
    %add3A_81 = arith.addi %mul3A_2, %add3A_80 : i32
    %dma_start3A_82 = arith.constant 0 : i32
    %dma_start3A_83 = tpu.memref_slice %arg4[%add3A_81, %dma_start3A_82] : memref<819200x128xf32, #tpu.memory_space<hbm>> -> memref<128x128xf32, #tpu.memory_space<hbm>>
    %dma_start3A_84 = arith.constant 0 : i32
    %dma_start3A_85 = tpu.memref_slice %arg4[%add3A_81, %dma_start3A_84] : memref<819200x128xf32, #tpu.memory_space<hbm>> -> memref<128x128xf32, #tpu.memory_space<hbm>>
    tpu.enqueue_dma source(%arg10 : memref<128x128xf32, #tpu.memory_space<vmem>>) target(%dma_start3A_85 : memref<128x128xf32, #tpu.memory_space<hbm>>) target_semaphore(%arg20 : memref<!tpu.dma_semaphore, #tpu.memory_space<semaphore_mem>>)
    %add3A_86 = arith.constant 24960 : i32
    %add3A_87 = arith.addi %mul3A_2, %add3A_86 : i32
    %dma_wait3A_88 = arith.constant 0 : i32
    %dma_wait3A_89 = tpu.memref_slice %arg4[%add3A_87, %dma_wait3A_88] : memref<819200x128xf32, #tpu.memory_space<hbm>> -> memref<128x128xf32, #tpu.memory_space<hbm>>
    %dma_wait3A_90 = arith.constant 0 : i32
    %dma_wait3A_91 = tpu.memref_slice %arg4[%add3A_87, %dma_wait3A_90] : memref<819200x128xf32, #tpu.memory_space<hbm>> -> memref<128x128xf32, #tpu.memory_space<hbm>>
    tpu.wait_dma2 semaphore(%arg16 : memref<!tpu.dma_semaphore, #tpu.memory_space<semaphore_mem>>) src(%arg6 : memref<128x128xf32, #tpu.memory_space<vmem>>) dst(%dma_wait3A_91 : memref<128x128xf32, #tpu.memory_space<hbm>>)
    %add3A_92 = arith.constant 25088 : i32
    %add3A_93 = arith.addi %mul3A_2, %add3A_92 : i32
    %dma_wait3A_94 = arith.constant 0 : i32
    %dma_wait3A_95 = tpu.memref_slice %arg4[%add3A_93, %dma_wait3A_94] : memref<819200x128xf32, #tpu.memory_space<hbm>> -> memref<128x128xf32, #tpu.memory_space<hbm>>
    %dma_wait3A_96 = arith.constant 0 : i32
    %dma_wait3A_97 = tpu.memref_slice %arg4[%add3A_93, %dma_wait3A_96] : memref<819200x128xf32, #tpu.memory_space<hbm>> -> memref<128x128xf32, #tpu.memory_space<hbm>>
    tpu.wait_dma2 semaphore(%arg17 : memref<!tpu.dma_semaphore, #tpu.memory_space<semaphore_mem>>) src(%arg7 : memref<128x128xf32, #tpu.memory_space<vmem>>) dst(%dma_wait3A_97 : memref<128x128xf32, #tpu.memory_space<hbm>>)
    %add3A_98 = arith.constant 25216 : i32
    %add3A_99 = arith.addi %mul3A_2, %add3A_98 : i32
    %dma_wait3A_100 = arith.constant 0 : i32
    %dma_wait3A_101 = tpu.memref_slice %arg4[%add3A_99, %dma_wait3A_100] : memref<819200x128xf32, #tpu.memory_space<hbm>> -> memref<128x128xf32, #tpu.memory_space<hbm>>
    %dma_wait3A_102 = arith.constant 0 : i32
    %dma_wait3A_103 = tpu.memref_slice %arg4[%add3A_99, %dma_wait3A_102] : memref<819200x128xf32, #tpu.memory_space<hbm>> -> memref<128x128xf32, #tpu.memory_space<hbm>>
    tpu.wait_dma2 semaphore(%arg18 : memref<!tpu.dma_semaphore, #tpu.memory_space<semaphore_mem>>) src(%arg8 : memref<128x128xf32, #tpu.memory_space<vmem>>) dst(%dma_wait3A_103 : memref<128x128xf32, #tpu.memory_space<hbm>>)
    %add3A_104 = arith.constant 25344 : i32
    %add3A_105 = arith.addi %mul3A_2, %add3A_104 : i32
    %dma_wait3A_106 = arith.constant 0 : i32
    %dma_wait3A_107 = tpu.memref_slice %arg4[%add3A_105, %dma_wait3A_106] : memref<819200x128xf32, #tpu.memory_space<hbm>> -> memref<128x128xf32, #tpu.memory_space<hbm>>
    %dma_wait3A_108 = arith.constant 0 : i32
    %dma_wait3A_109 = tpu.memref_slice %arg4[%add3A_105, %dma_wait3A_108] : memref<819200x128xf32, #tpu.memory_space<hbm>> -> memref<128x128xf32, #tpu.memory_space<hbm>>
    tpu.wait_dma2 semaphore(%arg19 : memref<!tpu.dma_semaphore, #tpu.memory_space<semaphore_mem>>) src(%arg9 : memref<128x128xf32, #tpu.memory_space<vmem>>) dst(%dma_wait3A_109 : memref<128x128xf32, #tpu.memory_space<hbm>>)
    %add3A_110 = arith.constant 25472 : i32
    %add3A_111 = arith.addi %mul3A_2, %add3A_110 : i32
    %dma_wait3A_112 = arith.constant 0 : i32
    %dma_wait3A_113 = tpu.memref_slice %arg4[%add3A_111, %dma_wait3A_112] : memref<819200x128xf32, #tpu.memory_space<hbm>> -> memref<128x128xf32, #tpu.memory_space<hbm>>
    %dma_wait3A_114 = arith.constant 0 : i32
    %dma_wait3A_115 = tpu.memref_slice %arg4[%add3A_111, %dma_wait3A_114] : memref<819200x128xf32, #tpu.memory_space<hbm>> -> memref<128x128xf32, #tpu.memory_space<hbm>>
    tpu.wait_dma2 semaphore(%arg20 : memref<!tpu.dma_semaphore, #tpu.memory_space<semaphore_mem>>) src(%arg10 : memref<128x128xf32, #tpu.memory_space<vmem>>) dst(%dma_wait3A_115 : memref<128x128xf32, #tpu.memory_space<hbm>>)
    return
  }
}

</mosaic_0001>

<sc_bundles>
// kernel: kernel.3.cloned.1.call-start
scs
__scs_entry_jumppad:
0x0: {  	(pc) =	sbr.rel $0x88, $3  }
0x1: {  	(tag) =	ssettag $0x0;
	lr =	simm.s32 $0x1  }
0x2: {  	[smem:$0x3F9F] =	sst lr;
	_ =	strace $0xD0000000  }
0x3: {  	_ = 	snop  }
0x4: {  	_ = 	snop  }
0x5: {  	_ = 	snop  }
0x6: {  	_ = 	snop  }
0x7: {  	_ = 	snop  }
__scs_overlays_trampoline_lowered:
0x8: {  	[smem:$0x3FAE] =	sst s0  }
0x9: {  	[smem:$0x3FAF] =	sst s1  }
0xa: {  	[smem:$0x3FB0] =	sst s2  }
0xb: {  	[smem:$0x3FB1] =	sst s3  }
0xc: {  	[smem:$0x3FB2] =	sst s4  }
0xd: {  	[smem:$0x3FB3] =	sst s5  }
0xe: {  	[smem:$0x3FB4] =	sst s6  }
0xf: {  	[smem:$0x3FB5] =	sst s7  }
0x10: {  	[smem:$0x3FB6] =	sst s8  }
0x11: {  	[smem:$0x3FB7] =	sst s9;
	s0 =	simm.s32 @!p0 $0x0  }
0x12: {  	s1 =	sld [smem:$0x3F9D];
	s0 =	simm.s32 @p0 $0x1  }
0x13: {  	[smem:$0x3FB8] =	sst s0;
	s0 =	simm.s32 @!p1 $0x0  }
0x14: {  	s2 =	sld [smem:$0x3F9C];
	s0 =	simm.s32 @p1 $0x1  }
0x15: {  	[smem:$0x3FB9] =	sst s0;
	s0 =	simm.s32 @!p2 $0x0  }
0x16: {  	s3 =	sld [smem:$0x3FDB];
	s0 =	simm.s32 @p2 $0x1  }
0x17: {  	s4 =	simm.s32 $0x1BF5;
	[smem:$0x3FBB] =	sst s0  }
0x18: {  	s0 =	sld [smem:$0x3F9E];
	_ =	swait.ge [sflag:s4], $0x0  }
0x19: {  	s7 =	sld [smem:$0x3F9F]  }
0x1a: {  	s8 =	sadd.s32 $0xFFFFE003, lr  }
0x1b: {  	s9 =	sadd.s32 $0xFFFFFEF7, lr;
	s5 =	simm.s32 $0xFFFFFFFF;
	p2 =	slt.u32 s8, $0xFFFFF086  }
0x1c: {  	p1 =	slt.u32 s9, $0xF7A;
	s5 =	simm.s32 @!p2 $0x0  }
0x1d: {  	s5 =	simm.s32 @p1 $0x1;
	p0 =	seq.s32 s7, s2  }
0x1e: {  	s7 =	smul.u32 @!p0 $0xF7A, s2;
	p2 =	seq.s32 @!p0 s5, $0x0  }
0x1f: {  	s9 =	smul.u32 $0xF7A, s1;
	s8 =	simm.s32 @!p0 $0x1BF5;
	p2 =	por !p2, p0  }
0x20: {  	[sflag:s8] =	ssyncset.s32 @!p0 $0xFFFFF086;
	s6 =	sadd.s32 @!p0 s3, s7;
	s7 =	simm.s32 @!p0 $0x108  }
0x21: {  	s3 =	sadd.s32 s3, s9;
	s6 =	sadd.s32 @!p0 $0x88, s6;
	s7 =	simm.s32 @p2 $0x1082  }
0x22: {  	[simem:s7], [sflag:s8] =	dma.local @!p0 [hbm:s6], $0xF7A  }
0x23: {  	s9 =	sor.u32 $0xD0000000, s2;
	s6 =	simm.s32 $0x108;
	_ =	swait.ge @!p0 [sflag:s8], $0x0  }
0x24: {  	s3 =	sadd.s32 $0x88, s3;
	s6 =	simm.s32 @!p1 $0x1082;
	[sflag:s4] =	ssyncset.s32 $0xFFFFF086  }
0x25: {  	[simem:s6], [sflag:s4] =	dma.local [hbm:s3], $0xF7A  }
0x26: {  	[smem:$0x3F9F] =	sst s1;
	(tag) =	ssettag s2;
	_ =	strace s9  }
0x27: {  	s1 =	sld [smem:$0x3FAF]  }
0x28: {  	s2 =	sld [smem:$0x3FB0]  }
0x29: {  	s4 =	sld [smem:$0x3FB2]  }
0x2a: {  	p0 =	seq.s32 s5, $0x0;
	s5 =	sld [smem:$0x3FB3]  }
0x2b: {  	s6 =	sld [smem:$0x3FB4]  }
0x2c: {  	s7 =	sld [smem:$0x3FB5]  }
0x2d: {  	s3 =	simm.s32 $0x108;
	s8 =	sld [smem:$0x3FB6]  }
0x2e: {  	s3 =	simm.s32 @!p0 $0x1082;
	s9 =	sld [smem:$0x3FB7]  }
0x2f: {  	lr =	sadd.s32 s0, s3;
	s0 =	sld [smem:$0x3FAE]  }
0x30: {  	s3 =	sld [smem:$0x3FB1]  }
0x31: {  	[smem:$0x3FBA] =	sst s10  }
0x32: {  	s10 =	sld [smem:$0x3FB8];
	_ =	sdelay $0x3  }
0x33: {  	p0 =	seq.s32 s10, $0x1;
	s10 =	sld [smem:$0x3FBA];
	_ =	sdelay $0x3  }
0x34: {  	[smem:$0x3FBA] =	sst s10  }
0x35: {  	s10 =	sld [smem:$0x3FB9];
	_ =	sdelay $0x3  }
0x36: {  	p1 =	seq.s32 s10, $0x1;
	s10 =	sld [smem:$0x3FBA];
	_ =	sdelay $0x3  }
0x37: {  	[smem:$0x3FBA] =	sst s10  }
0x38: {  	s10 =	sld [smem:$0x3FBB]  }
0x39: {  	_ = 	snop;
	(pc) =	sbr.ind lr, $3  }
0x3a: {  	_ = 	snop  }
0x3b: {  	_ = 	snop  }
0x3c: {  	p2 =	seq.s32 s10, $0x1;
	s10 =	sld [smem:$0x3FBA]  }
0x3d: {  	_ =	shalt  }
0x3e: {  	_ =	shalt  }
0x3f: {  	_ =	shalt  }
0x40: {  	_ =	shalt  }
0x41: {  	_ =	shalt  }
0x42: {  	_ =	shalt  }
0x43: {  	_ =	shalt  }
0x44: {  	_ =	shalt  }
0x45: {  	_ =	shalt  }
0x46: {  	_ =	shalt  }
0x47: {  	_ =	shalt  }
0x48: {  	_ =	shalt  }
0x49: {  	_ =	shalt  }
0x4a: {  	_ =	shalt  }
0x4b: {  	_ =	shalt  }
0x4c: {  	_ =	shalt  }
0x4d: {  	_ =	shalt  }
0x4e: {  	_ =	shalt  }
0x4f: {  	_ =	shalt  }
0x50: {  	_ =	shalt  }
0x51: {  	_ =	shalt  }
0x52: {  	_ =	shalt  }
0x53: {  	_ =	shalt  }
0x54: {  	_ =	shalt  }
0x55: {  	_ =	shalt  }
0x56: {  	_ =	shalt  }
0x57: {  	_ =	shalt  }
0x58: {  	_ =	shalt  }
0x59: {  	_ =	shalt  }
0x5a: {  	_ =	shalt  }
0x5b: {  	_ =	shalt  }
0x5c: {  	_ =	shalt  }
0x5d: {  	_ =	shalt  }
0x5e: {  	_ =	shalt  }
0x5f: {  	_ =	shalt  }
0x60: {  	_ =	shalt  }
0x61: {  	_ =	shalt  }
0x62: {  	_ =	shalt  }
0x63: {  	_ =	shalt  }
0x64: {  	_ =	shalt  }
0x65: {  	_ =	shalt  }
0x66: {  	_ =	shalt  }
0x67: {  	_ =	shalt  }
0x68: {  	_ =	shalt  }
0x69: {  	_ =	shalt  }
0x6a: {  	_ =	shalt  }
0x6b: {  	_ =	shalt  }
0x6c: {  	_ =	shalt  }
0x6d: {  	_ =	shalt  }
0x6e: {  	_ =	shalt  }
0x6f: {  	_ =	shalt  }
0x70: {  	_ =	shalt  }
0x71: {  	_ =	shalt  }
0x72: {  	_ =	shalt  }
0x73: {  	_ =	shalt  }
0x74: {  	_ =	shalt  }
0x75: {  	_ =	shalt  }
0x76: {  	_ =	shalt  }
0x77: {  	_ =	shalt  }
0x78: {  	_ =	shalt  }
0x79: {  	_ =	shalt  }
0x7a: {  	_ =	shalt  }
0x7b: {  	_ =	shalt  }
0x7c: {  	_ =	shalt  }
0x7d: {  	_ =	shalt  }
0x7e: {  	_ =	shalt  }
0x7f: {  	_ =	shalt  }
0x80: {  	_ =	shalt  }
0x81: {  	_ =	shalt  }
0x82: {  	_ =	shalt  }
0x83: {  	_ =	shalt  }
0x84: {  	_ =	shalt  }
0x85: {  	_ =	shalt  }
0x86: {  	_ =	shalt  }
0x87: {  	_ =	shalt  }
.Lfunc_end0:
.L_simem_size_0:
called_computation_lowered:
.L_overlay_start_0:
0x88: {  	s2 =	sld [smem:$0x3FD9]  }
0x89: {  	s3 =	sld [smem:$0x3FFE];
	_ =	sdelay $0x1  }
0x8a: {  	s1 =	srdreg.scid  }
0x8b: {  	s0 =	sand.u32 $0x1, s1  }
0x8c: {  	s17 =	sshll.u32 s0, $0xA;
	s2 =	sadd.s32 s3, s2  }
0x8d: {  	s2 =	sadd.s32 s2, s17  }
0x8e: {  	[smem:$0x3FC6] =	sst s2  }
0x8f: {  	_ = 	snop  }
0x90: {  	s2 =	sld [smem:$0x3FC8]  }
0x91: {  	s18 =	sld [smem:$0x3FD0];
	(tm) =	ssettm $0x1  }
0x92: {  	s4 =	sld [smem:$0x3FFB];
	_ =	sdelay $0x3  }
0x93: {  	_ =	strace s4  }
0x94: {  	s4 =	sld [smem:$0x3FFC];
	_ =	sdelay $0x3  }
0x95: {  	_ =	strace s4  }
0x96: {  	s4 =	sld [smem:$0x3FFD];
	_ =	sdelay $0x3  }
0x97: {  	_ =	strace s4  }
0x98: {  	_ =	strace $0x8FFFFFFF  }
0x99: {  	s19 =	sld [smem:$0x3FDB];
	_ =	sdelay $0x1  }
0x9a: {  	s5 =	simm.s32 $_scs_section_size  }
0x9b: {  	s6 =	simm.s32 $_size__tile_overlayer_lowered;
	s7 =	simm.s32 $_tile_overlayer_lowered  }
0x9c: {  	s22 =	simm.s32 $0x1BFF;
	s21 =	sshll.u32 s7, $0x1;
	s4 =	sadd.s32 s5, s19  }
0x9d: {  	s8 =	simm.s32 $0x0;
	s20 =	sshll.u32 s6, $0x1;
	s6 =	sadd.s32 s21, s4  }
0x9e: {  	[timem:s8], [sflag:s22] =	dma.local [hbm:s6], s20  }
0x9f: {  	_ =	swait.ge [sflag:s22], s20  }
0xa0: {  	s5 =	ssub.s32 $0x0, s20;
	[sflag:s22] =	ssyncset.done $0x0  }
0xa1: {  	[sflag:s22] =	ssyncadd.s32 s5;
	_ =	sdelay $0x1  }
0xa2: {  	s23 =	simm.s32 $0x1B8B  }
0xa3: {  	_ =	swait.ge [sflag:s23], $0x1  }
0xa4: {  	[sflag:s23] =	ssyncset.done $0x0  }
0xa5: {  	s25 =	simm.s32 $0x1B8E;
	s24 =	sld [smem:$0x3FFE];
	[sflag:s23] =	ssyncadd.s32 $0xFFFFFFFF  }
0xa6: {  	s26 =	simm.s32 $execute0_lowered;
	[smem:$0x3FD2] =	sst s25  }
0xa7: {  	s6 =	sshll.u32 s26, $0x1;
	_ =	strace $0x80000046;
	[dreg:$0x1] =	wrdreg $0xFFFFFFFF  }
0xa8: {  	s28 =	simm.s32 $_size_execute0_lowered;
	s4 =	sadd.s32 s4, s6;
	[dreg:$0x0] =	wrdreg $0x0  }
0xa9: {  	s6 =	sshll.u32 s28, $0x1;
	[dreg:$0x2] =	wrdreg s4  }
0xaa: {  	[dreg:$0x3] =	wrdreg s6  }
0xab: {  	[dreg:$0x4] =	wrdreg $0xC0  }
0xac: {  	_ =	task [dreg:s8], $0x5FFFF  }
0xad: {  	[dreg:$0x1] =	wrdreg $0xFFFFFFFF  }
0xae: {  	[dreg:$0x0] =	wrdreg $0x60  }
0xaf: {  	[dreg:$0x2] =	wrdreg s2  }
0xb0: {  	[dreg:$0x3] =	wrdreg s24  }
0xb1: {  	[dreg:$0x4] =	wrdreg s18  }
0xb2: {  	[dreg:$0x5] =	wrdreg $0x9  }
0xb3: {  	_ =	task.clear_ibuf [dreg:s8], $0x6FFFF;
	_ =	strace $0x90000046  }
0xb4: {  	s29 =	simm.s32 $0x9;
	_ =	strace $0x80000048  }
0xb5: {  	_ =	swait.ge [sflag:s29], $0x1  }
0xb6: {  	[sflag:s29] =	ssyncadd.s32 $0xFFFFFFFF  }
0xb7: {  	_ =	strace $0x90000048  }
0xb8: {  	_ =	sfence  }
0xb9: {  	s30 =	sld [smem:$0x0];
	_ =	sdelay $0x2  }
0xba: {  	s31 =	sshll.u32 s1, $0xD;
	s1 =	sshrl.u32 s1, $0x2  }
0xbb: {  	s3 =	sand.u32 $0x4000, s31;
	s1 =	sadd.s32 s1, s30  }
0xbc: {  	s0 =	sor.u32 s3, s0;
	s1 =	sshll.u32 s1, $0x11  }
0xbd: {  	s0 =	sor.u32 s1, s0  }
0xbe: {  	s0 =	sadd.s32 $0x8F2B, s0  }
0xbf: {  	[sflag:s0] =	ssyncadd.remote.s32 $0x1  }
0xc0: {  	_ =	sfence.sel $0xFFFF  }
0xc1: {  	[dreg:$0x0] =	wrdreg $0xFFFFFFFF;
	(pc) =	sbr.abs _section_cstart, $3  }
0xc2: {  	[dreg:$0x1] =	wrdreg $0xFFFFFFFF  }
0xc3: {  	_ =	task.clear_ibuf [dreg:s8], $0x2FFFF;
	_ =	strace $0x9FFFFFFF  }
0xc4: {  	(tm) =	ssettm $0x7FFFFFFF  }
0xc5: {  	_ =	shalt  }
tec
execute0_lowered:
.L_overlay_start_1:
0x0: {  	(tag) =	ssettag $0x1  }
0x1: {  	s1 =	rddreg [dreg:$0x0]  }
0x2: {  	s0 =	rddreg [dreg:$0x1]  }
0x3: {  	s2 =	srdreg.scid;
	s11 =	stileid.u32  }
0x4: {  	s7 =	rddreg [dreg:$0x2];
	s3 =	simm.s32 $0x0;
	s12 =	simm.s32 $0xB  }
0x5: {  	s13 =	simm.s32 $0x80;
	s14 =	simm.s32 $0x6400;
	s15 =	simm.s32 $0xA400  }
0x6: {  	s17 =	simm.s32 $0xE400;
	s19 =	simm.s32 $0x12400;
	s20 =	simm.s32 $0x1  }
0x7: {  	s22 =	simm.s32 $0x16400;
	s23 =	simm.s32 $0x2;
	s28 =	simm.s32 $0x4  }
0x8: {  	s2 =	sand.u32 $0x1, s2;
	s4 =	sshll.u32 s11, $0x1;
	s25 =	smul.u32 $0xC8000, s11  }
0x9: {  	s4 =	sor.u32 s2, s4;
	s6 =	ssub.s32 $0x2, s2;
	s2 =	smul.u32 $0x64000, s2  }
0xa: {  	s29 =	simm.s32 $0x8;
	s30 =	simm.s32 $0x5;
	s5 =	smul.u32 $0x6400, s4  }
0xb: {  	s31 =	simm.s32 $0x9;
	[smem:$0x7FF] =	sst s3;
	s8 =	smul.u32 $0x64000, s4  }
0xc: {  	_ =	strace $0x80000047;
	s24 =	sshrl.u32 s6, $0x1;
	s9 =	smul.u32 $0x320000, s4  }
0xd: {  	s10 =	ssub.s32 s6, s24;
	s24 =	simm.s32 $0x6;
	s5 =	sshrl.u32 s5, $0x3  }
0xe: {  	s26 =	sshrl.u32 s9, $0x3;
	s10 =	smax.u32 s10, $0x1;
	s0 =	sadd.s32 s5, s0  }
0xf: {  	s5 =	sadd.s32 s7, s8;
	s9 =	sadd.s32 s7, s26;
	s26 =	simm.s32 $0x7  }
0x10: {  	s0 =	sadd.s32 $0x400, s0;
	s6 =	sadd.s32 $0x800, s5;
	s8 =	sadd.s32 $0x63000, s9  }
0x11: {  	[dreg:$0x4] =	wrdreg s0;
	s0 =	sadd.s32 s25, s7;
	s7 =	sadd.s32 $0x62800, s9  }
0x12: {  	s9 =	sadd.s32 $0x63800, s9;
	s25 =	simm.s32 $0x3;
	s0 =	sadd.s32 s2, s0  }
0x13: {  	s2 =	simm.s32 $0xA;
	s11 =	sadd.s32 $0x1800, s0;
	s0 =	simm.s32 $0x0  }
.LBB2_1:
0x14: {  	s4 =	rddreg [dreg:$0x4]  }
0x15: {  	[tilespmem:s3], [sflag:$0xB] =	stream.linear.gather [hbm4b:s4+s3], $0x6400, $0x38;
	[tilespmem:$0x1A400] =	vst v63  }
0x16: {  	_ =	swait.ge [sflag:s12], $0x6400  }
0x17: {  	[sflag:s12] =	ssyncset.done $0x0  }
0x18: {  	[sflag:s12] =	ssyncadd.s32 $0xFFFF9C00  }
0x19: {  	[tilespmem:s14], [sflag:$0x1] =	stream.indirect.gather [hbm4b:s1+s13], $0x80, s3, s13, $0xb8;
	[tilespmem:$0x1A400] =	vst v63  }
0x1a: {  	_ = 	snop  }
0x1b: {  	[tilespmem:s15], [sflag:$0x2] =	stream.indirect.gather [hbm4b:s1+s13], $0x80, s13, s13, $0xb8;
	[tilespmem:$0x1A400] =	vst v63  }
0x1c: {  	s21 =	simm.s32 $0x100  }
0x1d: {  	[tilespmem:s17], [sflag:$0x3] =	stream.indirect.gather [hbm4b:s1+s13], $0x80, s21, s13, $0xb8;
	[tilespmem:$0x1A400] =	vst v63  }
0x1e: {  	s16 =	simm.s32 $0x180  }
0x1f: {  	[tilespmem:s19], [sflag:$0x4] =	stream.indirect.gather [hbm4b:s1+s13], $0x80, s16, s13, $0xb8;
	[tilespmem:$0x1A400] =	vst v63  }
0x20: {  	_ =	swait.ge [sflag:s20], $0x4000  }
0x21: {  	[sflag:s20] =	ssyncset.done $0x0  }
0x22: {  	[sflag:s20] =	ssyncadd.s32 $0xFFFFC000  }
0x23: {  	[hbm4b:s5+s3] =	stream.linear.scatter [tilespmem:s14], [sflag:$0x6], $0x4000, $0x38;
	[tilespmem:$0x1A400] =	vst v63  }
0x24: {  	s18 =	simm.s32 $0x200  }
0x25: {  	[tilespmem:s22], [sflag:$0x5] =	stream.indirect.gather [hbm4b:s1+s13], $0x80, s18, s13, $0xb8;
	[tilespmem:$0x1A400] =	vst v63  }
0x26: {  	_ =	swait.ge [sflag:s23], $0x4000  }
0x27: {  	[sflag:s23] =	ssyncset.done $0x0  }
0x28: {  	[sflag:s23] =	ssyncadd.s32 $0xFFFFC000  }
0x29: {  	[hbm4b:s6+s3] =	stream.linear.scatter [tilespmem:s15], [sflag:$0x7], $0x4000, $0x38;
	[tilespmem:$0x1A400] =	vst v63  }
0x2a: {  	_ =	swait.ge [sflag:s24], $0x4000  }
0x2b: {  	[sflag:s24] =	ssyncset.done $0x0  }
0x2c: {  	s16 =	simm.s32 $0x280;
	[sflag:s24] =	ssyncadd.s32 $0xFFFFC000  }
0x2d: {  	[tilespmem:s14], [sflag:$0x1] =	stream.indirect.gather [hbm4b:s1+s13], $0x80, s16, s13, $0xb8;
	[tilespmem:$0x1A400] =	vst v63  }
0x2e: {  	_ =	swait.ge [sflag:s25], $0x4000  }
0x2f: {  	[sflag:s25] =	ssyncset.done $0x0  }
0x30: {  	s21 =	sadd.s32 $0xFFFFF800, s11;
	[sflag:s25] =	ssyncadd.s32 $0xFFFFC000  }
0x31: {  	[hbm4b:s21+s3] =	stream.linear.scatter [tilespmem:s17], [sflag:$0x8], $0x4000, $0x38;
	[tilespmem:$0x1A400] =	vst v63  }
0x32: {  	_ =	swait.ge [sflag:s26], $0x4000  }
0x33: {  	[sflag:s26] =	ssyncset.done $0x0  }
0x34: {  	s4 =	simm.s32 $0x300;
	[sflag:s26] =	ssyncadd.s32 $0xFFFFC000  }
0x35: {  	[tilespmem:s15], [sflag:$0x2] =	stream.indirect.gather [hbm4b:s1+s13], $0x80, s4, s13, $0xb8;
	[tilespmem:$0x1A400] =	vst v63  }
0x36: {  	_ =	swait.ge [sflag:s28], $0x4000  }
0x37: {  	[sflag:s28] =	ssyncset.done $0x0  }
0x38: {  	[sflag:s28] =	ssyncadd.s32 $0xFFFFC000  }
0x39: {  	[hbm4b:s11+s3] =	stream.linear.scatter [tilespmem:s19], [sflag:$0x9], $0x4000, $0x38;
	[tilespmem:$0x1A400] =	vst v63  }
0x3a: {  	_ =	swait.ge [sflag:s29], $0x4000  }
0x3b: {  	[sflag:s29] =	ssyncset.done $0x0  }
0x3c: {  	s18 =	simm.s32 $0x380;
	[sflag:s29] =	ssyncadd.s32 $0xFFFFC000  }
0x3d: {  	[tilespmem:s17], [sflag:$0x3] =	stream.indirect.gather [hbm4b:s1+s13], $0x80, s18, s13, $0xb8;
	[tilespmem:$0x1A400] =	vst v63  }
0x3e: {  	_ =	swait.ge [sflag:s30], $0x4000  }
0x3f: {  	[sflag:s30] =	ssyncset.done $0x0  }
0x40: {  	s21 =	sadd.s32 $0x800, s11;
	[sflag:s30] =	ssyncadd.s32 $0xFFFFC000  }
0x41: {  	[hbm4b:s21+s3] =	stream.linear.scatter [tilespmem:s22], [sflag:$0xA], $0x4000, $0x38;
	[tilespmem:$0x1A400] =	vst v63  }
0x42: {  	_ =	swait.ge [sflag:s31], $0x4000  }
0x43: {  	[sflag:s31] =	ssyncset.done $0x0  }
0x44: {  	s4 =	simm.s32 $0x400;
	[sflag:s31] =	ssyncadd.s32 $0xFFFFC000  }
0x45: {  	[tilespmem:s19], [sflag:$0x4] =	stream.indirect.gather [hbm4b:s1+s13], $0x80, s4, s13, $0xb8;
	[tilespmem:$0x1A400] =	vst v63  }
0x46: {  	_ =	swait.ge [sflag:s20], $0x4000  }
0x47: {  	[sflag:s20] =	ssyncset.done $0x0  }
0x48: {  	s18 =	sadd.s32 $0x1000, s11;
	[sflag:s20] =	ssyncadd.s32 $0xFFFFC000  }
0x49: {  	[hbm4b:s18+s3] =	stream.linear.scatter [tilespmem:s14], [sflag:$0x6], $0x4000, $0x38;
	[tilespmem:$0x1A400] =	vst v63  }
0x4a: {  	_ =	swait.ge [sflag:s2], $0x4000  }
0x4b: {  	[sflag:s2] =	ssyncset.done $0x0  }
0x4c: {  	s21 =	simm.s32 $0x480;
	[sflag:s2] =	ssyncadd.s32 $0xFFFFC000  }
0x4d: {  	[tilespmem:s22], [sflag:$0x5] =	stream.indirect.gather [hbm4b:s1+s13], $0x80, s21, s13, $0xb8;
	[tilespmem:$0x1A400] =	vst v63  }
0x4e: {  	_ =	swait.ge [sflag:s23], $0x4000  }
0x4f: {  	s16 =	simm.s32 $0xA00;
	[sflag:s23] =	ssyncset.done $0x0  }
0x50: {  	s18 =	sadd.s32 $0x2800, s11;
	s21 =	sadd.s32 $0x1800, s11;
	[sflag:s23] =	ssyncadd.s32 $0xFFFFC000  }
.LBB2_2:
0x51: {  	[hbm4b:s21+s3] =	stream.linear.scatter [tilespmem:s15], [sflag:$0x7], $0x4000, $0x38;
	[tilespmem:$0x1A400] =	vst v63  }
0x52: {  	s21 =	smov.u32 s16  }
0x53: {  	p0 =	sne.s32 s16, $0x17C00;
	s16 =	sadd.s32 $0xA00, s16;
	_ =	swait.ge [sflag:s24], $0x4000  }
0x54: {  	s21 =	sshra.s32 s21, $0x2;
	[sflag:s24] =	ssyncset.done $0x0  }
0x55: {  	s4 =	sadd.s32 $0x280, s21;
	[sflag:s24] =	ssyncadd.s32 $0xFFFFC000  }
0x56: {  	[tilespmem:s14], [sflag:$0x1] =	stream.indirect.gather [hbm4b:s1+s13], $0x80, s4, s13, $0xb8;
	[tilespmem:$0x1A400] =	vst v63  }
0x57: {  	_ =	swait.ge [sflag:s25], $0x4000  }
0x58: {  	[sflag:s25] =	ssyncset.done $0x0  }
0x59: {  	s4 =	sadd.s32 $0xFFFFF800, s18;
	[sflag:s25] =	ssyncadd.s32 $0xFFFFC000  }
0x5a: {  	[hbm4b:s4+s3] =	stream.linear.scatter [tilespmem:s17], [sflag:$0x8], $0x4000, $0x38;
	[tilespmem:$0x1A400] =	vst v63  }
0x5b: {  	_ =	swait.ge [sflag:s26], $0x4000  }
0x5c: {  	[sflag:s26] =	ssyncset.done $0x0  }
0x5d: {  	s4 =	sadd.s32 $0x300, s21;
	[sflag:s26] =	ssyncadd.s32 $0xFFFFC000  }
0x5e: {  	[tilespmem:s15], [sflag:$0x2] =	stream.indirect.gather [hbm4b:s1+s13], $0x80, s4, s13, $0xb8;
	[tilespmem:$0x1A400] =	vst v63  }
0x5f: {  	_ =	swait.ge [sflag:s28], $0x4000  }
0x60: {  	[sflag:s28] =	ssyncset.done $0x0  }
0x61: {  	[sflag:s28] =	ssyncadd.s32 $0xFFFFC000  }
0x62: {  	[hbm4b:s18+s3] =	stream.linear.scatter [tilespmem:s19], [sflag:$0x9], $0x4000, $0x38;
	[tilespmem:$0x1A400] =	vst v63  }
0x63: {  	_ =	swait.ge [sflag:s29], $0x4000  }
0x64: {  	[sflag:s29] =	ssyncset.done $0x0  }
0x65: {  	s4 =	sadd.s32 $0x380, s21;
	[sflag:s29] =	ssyncadd.s32 $0xFFFFC000  }
0x66: {  	[tilespmem:s17], [sflag:$0x3] =	stream.indirect.gather [hbm4b:s1+s13], $0x80, s4, s13, $0xb8;
	[tilespmem:$0x1A400] =	vst v63  }
0x67: {  	_ =	swait.ge [sflag:s30], $0x4000  }
0x68: {  	[sflag:s30] =	ssyncset.done $0x0  }
0x69: {  	s4 =	sadd.s32 $0x800, s18;
	[sflag:s30] =	ssyncadd.s32 $0xFFFFC000  }
0x6a: {  	[hbm4b:s4+s3] =	stream.linear.scatter [tilespmem:s22], [sflag:$0xA], $0x4000, $0x38;
	[tilespmem:$0x1A400] =	vst v63  }
0x6b: {  	_ =	swait.ge [sflag:s31], $0x4000  }
0x6c: {  	[sflag:s31] =	ssyncset.done $0x0  }
0x6d: {  	s4 =	sadd.s32 $0x400, s21;
	[sflag:s31] =	ssyncadd.s32 $0xFFFFC000  }
0x6e: {  	[tilespmem:s19], [sflag:$0x4] =	stream.indirect.gather [hbm4b:s1+s13], $0x80, s4, s13, $0xb8;
	[tilespmem:$0x1A400] =	vst v63  }
0x6f: {  	_ =	swait.ge [sflag:s20], $0x4000  }
0x70: {  	[sflag:s20] =	ssyncset.done $0x0  }
0x71: {  	s4 =	sadd.s32 $0x1000, s18;
	[sflag:s20] =	ssyncadd.s32 $0xFFFFC000  }
0x72: {  	[hbm4b:s4+s3] =	stream.linear.scatter [tilespmem:s14], [sflag:$0x6], $0x4000, $0x38;
	[tilespmem:$0x1A400] =	vst v63  }
0x73: {  	_ =	swait.ge [sflag:s2], $0x4000  }
0x74: {  	[sflag:s2] =	ssyncset.done $0x0  }
.Ltmp0:
0x75: {  	s4 =	sadd.s32 $0x480, s21;
	[sflag:s2] =	ssyncadd.s32 $0xFFFFC000;
	(pc) =	sbr.rel @p0 .LBB2_2-.Ltmp0, $4  }
0x76: {  	[tilespmem:s22], [sflag:$0x5] =	stream.indirect.gather [hbm4b:s1+s13], $0x80, s4, s13, $0xb8;
	[tilespmem:$0x1A400] =	vst v63  }
0x77: {  	_ =	swait.ge [sflag:s23], $0x4000  }
0x78: {  	[sflag:s23] =	ssyncset.done $0x0  }
0x79: {  	s21 =	sadd.s32 $0x1800, s18;
	s18 =	sadd.s32 $0x2800, s18;
	[sflag:s23] =	ssyncadd.s32 $0xFFFFC000  }
0x7a: {  	[hbm4b:s21+s3] =	stream.linear.scatter [tilespmem:s15], [sflag:$0x7], $0x4000, $0x38;
	[tilespmem:$0x1A400] =	vst v63  }
0x7b: {  	_ =	swait.ge [sflag:s25], $0x4000  }
0x7c: {  	[sflag:s25] =	ssyncset.done $0x0  }
0x7d: {  	[sflag:s25] =	ssyncadd.s32 $0xFFFFC000  }
0x7e: {  	[hbm4b:s7+s3] =	stream.linear.scatter [tilespmem:s17], [sflag:$0x8], $0x4000, $0x38;
	[tilespmem:$0x1A400] =	vst v63  }
0x7f: {  	_ =	swait.ge [sflag:s28], $0x4000  }
0x80: {  	[sflag:s28] =	ssyncset.done $0x0  }
0x81: {  	[sflag:s28] =	ssyncadd.s32 $0xFFFFC000  }
0x82: {  	[hbm4b:s8+s3] =	stream.linear.scatter [tilespmem:s19], [sflag:$0x9], $0x4000, $0x38;
	[tilespmem:$0x1A400] =	vst v63  }
0x83: {  	_ =	swait.ge [sflag:s30], $0x4000  }
0x84: {  	[sflag:s30] =	ssyncset.done $0x0  }
0x85: {  	[sflag:s30] =	ssyncadd.s32 $0xFFFFC000  }
0x86: {  	[hbm4b:s9+s3] =	stream.linear.scatter [tilespmem:s22], [sflag:$0xA], $0x4000, $0x38;
	[tilespmem:$0x1A400] =	vst v63  }
0x87: {  	_ =	swait.ge [sflag:s24], $0x4000  }
0x88: {  	[sflag:s24] =	ssyncset.done $0x0  }
0x89: {  	[sflag:s24] =	ssyncadd.s32 $0xFFFFC000  }
0x8a: {  	_ =	swait.ge [sflag:s26], $0x4000  }
0x8b: {  	[sflag:s26] =	ssyncset.done $0x0  }
0x8c: {  	[sflag:s26] =	ssyncadd.s32 $0xFFFFC000  }
0x8d: {  	_ =	swait.ge [sflag:s29], $0x4000  }
0x8e: {  	[sflag:s29] =	ssyncset.done $0x0  }
0x8f: {  	s0 =	sadd.s32 $0x1, s0;
	[sflag:s29] =	ssyncadd.s32 $0xFFFFC000  }
0x90: {  	p0 =	sne.s32 s0, s10;
	_ =	swait.ge [sflag:s31], $0x4000  }
.Ltmp1:
0x91: {  	[sflag:s31] =	ssyncset.done $0x0;
	(pc) =	sbr.rel @p0 .LBB2_1-.Ltmp1, $4  }
0x92: {  	[sflag:s31] =	ssyncadd.s32 $0xFFFFC000  }
0x93: {  	_ =	swait.ge [sflag:s2], $0x4000  }
0x94: {  	[sflag:s2] =	ssyncset.done $0x0  }
0x95: {  	[sflag:s2] =	ssyncadd.s32 $0xFFFFC000  }
0x96: {  	_ =	sfence.sel $0x180000  }
0x97: {  	[bflag:$0x0] =	sbarrier.arrive $0xFFFF  }
0x98: {  	_ =	strace $0x90000047  }
0x99: {  	s0 =	stileid.u32;
	[bflag:$0x2] =	sbarrier.arrive $0xFFFF  }
0x9a: {  	p0 =	sne.s32 s0, $0x0;
	s0 =	rddreg [dreg:$0x3]  }
0x9b: {  	s0 =	sadd.s32 @!p0 $0x100000, s0  }
0x9c: {  	[sflag:s0] =	ssyncadd.tile.s32 @!p0 $0x1;
	_ =	shalt  }
.Lfunc_end2:
_tile_overlayer_lowered:
.L_overlay_start_2:
0x9d: {  	(tag) =	ssettag $0x2  }
0x9e: {  	s0 =	rddreg [dreg:$0x0];
	s2 =	stileid.u32  }
0x9f: {  	s1 =	rddreg [dreg:$0x1];
	p0 =	sne.s32 s2, $0x0  }
0xa0: {  	s3 =	rddreg [dreg:$0x2];
	[bflag:$0x3] =	sbarrier.arrive $0xFFFF;
	s2 =	simm.s32 @!p0 $0x1C0B  }
0xa1: {  	[timem:s3], [sflag:s2] =	dma.local @!p0 [hbm:s0], s1  }
0xa2: {  	s0 =	simm.s32 @!p0 $0xB  }
0xa3: {  	_ =	swait.ge @!p0 [sflag:s0], s1  }
0xa4: {  	s1 =	ssub.s32 @!p0 $0x0, s1;
	[sflag:s0] =	ssyncset.done @!p0 $0x0  }
0xa5: {  	[sflag:s0] =	ssyncadd.s32 @!p0 s1  }
0xa6: {  	[bflag:$0x3] =	sbarrier.arrive $0xFFFF  }
0xa7: {  	_ =	shalt  }

</sc_bundles>
